<compile_context>
chip_gen: v7x
topology: tpu7x:2x2x1
jax: 0.10.2.dev20260603
libtpu: 0.0.44.dev20260713+nightly
codegen_flags: <defaults>
</compile_context>

<pallas_src>
import jax
import jax.numpy as jnp
from jax import lax
from jax.experimental import pallas as pl
from jax.experimental.pallas import tpu as pltpu
from jax.experimental.pallas import tpu_sc as plsc


def _sc_gather_body(emb_hbm, t_hbm, out_hbm, t_smem, sem):
    pltpu.sync_copy(t_hbm, t_smem)
    for b in range(4):
        tb = t_smem[b]
        pltpu.async_copy(emb_hbm.at[pl.ds(tb, 1)], out_hbm.at[pl.ds(b, 1)], sem)
    pltpu.make_async_copy(emb_hbm.at[pl.ds(0, 4)], out_hbm, sem).wait()


def _sc_gather(emb_weight, t):
    B = t.shape[0]
    D2 = emb_weight.shape[1]
    mesh = plsc.ScalarSubcoreMesh(axis_name="c", num_cores=1)
    k = pl.kernel(
        _sc_gather_body,
        out_type=jax.ShapeDtypeStruct((B, D2), jnp.float32),
        mesh=mesh,
        scratch_types=[
            pltpu.SMEM((B,), jnp.int32),
            pltpu.SemaphoreType.DMA,
        ],
    )
    return k(emb_weight, t)


def _film_body(gb_ref, h_ref, o_ref):
    H = h_ref.shape[-1]
    gamma = gb_ref[0, 0, :H].reshape(1, 1, H)
    beta = gb_ref[0, 0, H:].reshape(1, 1, H)
    o_ref[...] = h_ref[...] * (1.0 + gamma) + beta


def _film_tc(h, gb):
    B, S, H = h.shape
    CHUNK = 2048
    gb3 = gb.reshape(B, 1, 2 * H)
    nch = S // CHUNK
    return pl.pallas_call(
        _film_body,
        grid=(B * nch,),
        in_specs=[
            pl.BlockSpec((1, 1, 2 * H), lambda i: (i // nch, 0, 0)),
            pl.BlockSpec((1, CHUNK, H), lambda i: (i // nch, i % nch, 0)),
        ],
        out_specs=pl.BlockSpec((1, CHUNK, H), lambda i: (i // nch, i % nch, 0)),
        out_shape=jax.ShapeDtypeStruct((B, S, H), h.dtype),
    )(gb3, h)


def kernel(h, t, emb_weight):
    gb = _sc_gather(emb_weight, t.astype(jnp.int32))
    return _film_tc(h, gb)

# --- scband reference (transcript-rebuilt; emitter-appended) ---
"""Pipeline reference for scband-fi-lm-34368328302872 (READ-ONLY COPY).

The authoritative reference and input builder live on the scoring server;
editing this copy changes nothing except your own understanding.
"""

import jax, jax.numpy as jnp
import numpy as np


def setup_inputs(seed: int = 0) -> dict:
    key = jax.random.key(seed)
    k1, k2, k3 = jax.random.split(key, 3)
    h = jax.random.normal(k1, (4, 4096, 1024), dtype=jnp.float32)
    t = jax.random.randint(k2, (4,), 0, 1000, dtype=jnp.int64 if jax.config.jax_enable_x64 else jnp.int32)
    emb_weight = jax.random.uniform(k3, (1000, 2048), dtype=jnp.float32, minval=-0.02, maxval=0.02)
    return {"h": h, "t": t, "emb_weight": emb_weight}


def reference(h, t, emb_weight):
    # gb = self.emb(t)
    gb = jnp.take(emb_weight, t, axis=0)  # [B, 2*hidden]
    gamma, beta = jnp.split(gb, 2, axis=-1)  # each [B, hidden]
    gamma = gamma[:, None, :]
    beta = beta[:, None, :]
    return (1.0 + gamma) * h + beta

if __name__ == "__main__":
    import jax
    _d = setup_inputs()
    print(jax.jit(kernel)(*tuple(_d.values())))

</pallas_src>

<mosaic_0001>
#map = affine_map<(d0) -> (0, 0)>
#map1 = affine_map<(d0) -> (0)>
module attributes {stable_mosaic.version = 14 : i64} {
  func.func @_sc_gather_body(%arg0: i32, %arg1: memref<1000x2048xf32, #tpu.memory_space<hbm>>, %arg2: memref<4xi32, #tpu.memory_space<hbm>>, %arg3: memref<4x2048xf32, #tpu.memory_space<hbm>>, %arg4: memref<4xi32, #tpu.memory_space<smem>>, %arg5: memref<!tpu.dma_semaphore, #tpu.memory_space<semaphore_mem>>) attributes {dimension_semantics = [#tpu.dimension_semantics<core_parallel>], iteration_bounds = array<i64: 1>, scalar_prefetch = 0 : i64, scratch_operands = 2 : i64, tpu.core_type = #tpu.core_type<sc_scalar_subcore>, window_params = [{transform_indices = #map}, {transform_indices = #map1}, {transform_indices = #map}]} {
    "tpu.region"() ({
      %run_scoped3A = tpu.sem_alloc : memref<!tpu.dma_semaphore, #tpu.memory_space<semaphore_mem>>
      tpu.enqueue_dma source(%arg2 : memref<4xi32, #tpu.memory_space<hbm>>) target(%arg4 : memref<4xi32, #tpu.memory_space<smem>>) target_semaphore(%run_scoped3A : memref<!tpu.dma_semaphore, #tpu.memory_space<semaphore_mem>>)
      tpu.wait_dma2 semaphore(%run_scoped3A : memref<!tpu.dma_semaphore, #tpu.memory_space<semaphore_mem>>) src(%arg2 : memref<4xi32, #tpu.memory_space<hbm>>) dst(%arg4 : memref<4xi32, #tpu.memory_space<smem>>)
      tpu.yield
    }) : () -> ()
    %get3A = arith.constant 0 : i32
    %get3A_0 = arith.index_cast %get3A : i32 to index
    %get3A_1 = memref.load %arg4[%get3A_0] : memref<4xi32, #tpu.memory_space<smem>>
    %dma_start3A = arith.constant 0 : i32
    %dma_start3A_2 = arith.constant 0 : i32
    %dma_start3A_3 = tpu.memref_slice %arg3[%dma_start3A, %dma_start3A_2] : memref<4x2048xf32, #tpu.memory_space<hbm>> -> memref<1x2048xf32, #tpu.memory_space<hbm>>
    %dma_start3A_4 = arith.constant 0 : i32
    %dma_start3A_5 = tpu.memref_slice %arg1[%get3A_1, %dma_start3A_4] : memref<1000x2048xf32, #tpu.memory_space<hbm>> -> memref<1x2048xf32, #tpu.memory_space<hbm>>
    tpu.enqueue_dma source(%dma_start3A_5 : memref<1x2048xf32, #tpu.memory_space<hbm>>) target(%dma_start3A_3 : memref<1x2048xf32, #tpu.memory_space<hbm>>) target_semaphore(%arg5 : memref<!tpu.dma_semaphore, #tpu.memory_space<semaphore_mem>>)
    %get3A_6 = arith.constant 1 : i32
    %get3A_7 = arith.index_cast %get3A_6 : i32 to index
    %get3A_8 = memref.load %arg4[%get3A_7] : memref<4xi32, #tpu.memory_space<smem>>
    %dma_start3A_9 = arith.constant 1 : i32
    %dma_start3A_10 = arith.constant 0 : i32
    %dma_start3A_11 = tpu.memref_slice %arg3[%dma_start3A_9, %dma_start3A_10] : memref<4x2048xf32, #tpu.memory_space<hbm>> -> memref<1x2048xf32, #tpu.memory_space<hbm>>
    %dma_start3A_12 = arith.constant 0 : i32
    %dma_start3A_13 = tpu.memref_slice %arg1[%get3A_8, %dma_start3A_12] : memref<1000x2048xf32, #tpu.memory_space<hbm>> -> memref<1x2048xf32, #tpu.memory_space<hbm>>
    tpu.enqueue_dma source(%dma_start3A_13 : memref<1x2048xf32, #tpu.memory_space<hbm>>) target(%dma_start3A_11 : memref<1x2048xf32, #tpu.memory_space<hbm>>) target_semaphore(%arg5 : memref<!tpu.dma_semaphore, #tpu.memory_space<semaphore_mem>>)
    %get3A_14 = arith.constant 2 : i32
    %get3A_15 = arith.index_cast %get3A_14 : i32 to index
    %get3A_16 = memref.load %arg4[%get3A_15] : memref<4xi32, #tpu.memory_space<smem>>
    %dma_start3A_17 = arith.constant 2 : i32
    %dma_start3A_18 = arith.constant 0 : i32
    %dma_start3A_19 = tpu.memref_slice %arg3[%dma_start3A_17, %dma_start3A_18] : memref<4x2048xf32, #tpu.memory_space<hbm>> -> memref<1x2048xf32, #tpu.memory_space<hbm>>
    %dma_start3A_20 = arith.constant 0 : i32
    %dma_start3A_21 = tpu.memref_slice %arg1[%get3A_16, %dma_start3A_20] : memref<1000x2048xf32, #tpu.memory_space<hbm>> -> memref<1x2048xf32, #tpu.memory_space<hbm>>
    tpu.enqueue_dma source(%dma_start3A_21 : memref<1x2048xf32, #tpu.memory_space<hbm>>) target(%dma_start3A_19 : memref<1x2048xf32, #tpu.memory_space<hbm>>) target_semaphore(%arg5 : memref<!tpu.dma_semaphore, #tpu.memory_space<semaphore_mem>>)
    %get3A_22 = arith.constant 3 : i32
    %get3A_23 = arith.index_cast %get3A_22 : i32 to index
    %get3A_24 = memref.load %arg4[%get3A_23] : memref<4xi32, #tpu.memory_space<smem>>
    %dma_start3A_25 = arith.constant 3 : i32
    %dma_start3A_26 = arith.constant 0 : i32
    %dma_start3A_27 = tpu.memref_slice %arg3[%dma_start3A_25, %dma_start3A_26] : memref<4x2048xf32, #tpu.memory_space<hbm>> -> memref<1x2048xf32, #tpu.memory_space<hbm>>
    %dma_start3A_28 = arith.constant 0 : i32
    %dma_start3A_29 = tpu.memref_slice %arg1[%get3A_24, %dma_start3A_28] : memref<1000x2048xf32, #tpu.memory_space<hbm>> -> memref<1x2048xf32, #tpu.memory_space<hbm>>
    tpu.enqueue_dma source(%dma_start3A_29 : memref<1x2048xf32, #tpu.memory_space<hbm>>) target(%dma_start3A_27 : memref<1x2048xf32, #tpu.memory_space<hbm>>) target_semaphore(%arg5 : memref<!tpu.dma_semaphore, #tpu.memory_space<semaphore_mem>>)
    %dma_wait3A = arith.constant 0 : i32
    %dma_wait3A_30 = arith.constant 0 : i32
    %dma_wait3A_31 = tpu.memref_slice %arg1[%dma_wait3A, %dma_wait3A_30] : memref<1000x2048xf32, #tpu.memory_space<hbm>> -> memref<4x2048xf32, #tpu.memory_space<hbm>>
    tpu.wait_dma2 semaphore(%arg5 : memref<!tpu.dma_semaphore, #tpu.memory_space<semaphore_mem>>) src(%dma_wait3A_31 : memref<4x2048xf32, #tpu.memory_space<hbm>>) dst(%arg3 : memref<4x2048xf32, #tpu.memory_space<hbm>>)
    return
  }
}

module attributes {stable_mosaic.version = 14 : i64} {
  func.func @_film_body(%arg0: i32, %arg1: memref<1x1x2048xf32, #tpu.memory_space<vmem>>, %arg2: memref<1x2048x1024xf32, #tpu.memory_space<vmem>>, %arg3: memref<1x2048x1024xf32, #tpu.memory_space<vmem>>) attributes {dimension_semantics = [#tpu.dimension_semantics<arbitrary>], iteration_bounds = array<i64: 8>, scalar_prefetch = 0 : i64, scratch_operands = 0 : i64, tpu.core_type = #tpu.core_type<tc>, window_params = [{transform_indices = @transform_0, window_bounds = array<i64: 1, 1, 2048>}, {transform_indices = @transform_1, window_bounds = array<i64: 1, 2048, 1024>}, {transform_indices = @transform_2, window_bounds = array<i64: 1, 2048, 1024>}]} {
    %get3A = arith.constant 0 : index
    %get3A_0 = arith.constant 0 : index
    %get3A_1 = arith.constant 0 : index
    %get3A_2 = vector.load %arg1[%get3A, %get3A_0, %get3A_1] : memref<1x1x2048xf32, #tpu.memory_space<vmem>>, vector<1x1x1024xf32>
    %get3A_3 = vector.shape_cast %get3A_2 : vector<1x1x1024xf32> to vector<1024xf32>
    %reshape3A = vector.shape_cast %get3A_3 : vector<1024xf32> to vector<1x1x1024xf32>
    %get3A_4 = arith.constant 0 : index
    %get3A_5 = arith.constant 0 : index
    %get3A_6 = arith.constant 1024 : index
    %get3A_7 = vector.load %arg1[%get3A_4, %get3A_5, %get3A_6] : memref<1x1x2048xf32, #tpu.memory_space<vmem>>, vector<1x1x1024xf32>
    %get3A_8 = vector.shape_cast %get3A_7 : vector<1x1x1024xf32> to vector<1024xf32>
    %reshape3A_9 = vector.shape_cast %get3A_8 : vector<1024xf32> to vector<1x1x1024xf32>
    %get3A_10 = arith.constant 0 : index
    %get3A_11 = arith.constant 0 : index
    %get3A_12 = arith.constant 0 : index
    %get3A_13 = vector.load %arg2[%get3A_10, %get3A_11, %get3A_12] : memref<1x2048x1024xf32, #tpu.memory_space<vmem>>, vector<1x2048x1024xf32>
    %add3A = arith.constant 1.000000e+00 : f32
    %add3A_14 = vector.broadcast %add3A : f32 to vector<1x1x1024xf32>
    %add3A_15 = arith.addf %add3A_14, %reshape3A : vector<1x1x1024xf32>
    %mul3A = vector.broadcast %add3A_15 : vector<1x1x1024xf32> to vector<1x2048x1024xf32>
    %mul3A_16 = arith.mulf %get3A_13, %mul3A : vector<1x2048x1024xf32>
    %add3A_17 = vector.broadcast %reshape3A_9 : vector<1x1x1024xf32> to vector<1x2048x1024xf32>
    %add3A_18 = arith.addf %mul3A_16, %add3A_17 : vector<1x2048x1024xf32>
    %swap3A = arith.constant 0 : index
    %swap3A_19 = arith.constant 0 : index
    %swap3A_20 = arith.constant 0 : index
    %swap3A_21 = vector.load %arg3[%swap3A, %swap3A_19, %swap3A_20] : memref<1x2048x1024xf32, #tpu.memory_space<vmem>>, vector<1x2048x1024xf32>
    tpu.vector_store %arg3[%swap3A, %swap3A_19, %swap3A_20], %add3A_18 {strides = array<i32>} : memref<1x2048x1024xf32, #tpu.memory_space<vmem>>, vector<1x2048x1024xf32>,
    return
  }
  func.func @transform_0(%arg0: i32) -> (i32, i32, i32) {
    %jit3A = arith.constant 2 : i32
    %div3A = arith.divsi %arg0, %jit3A : i32
    %sign3A = arith.constant 0 : i32
    %sign3A_0 = arith.cmpi sgt, %arg0, %sign3A : i32
    %sign3A_1 = arith.extui %sign3A_0 : i1 to i32
    %sign3A_2 = arith.constant 0 : i32
    %sign3A_3 = arith.cmpi slt, %arg0, %sign3A_2 : i32
    %sign3A_4 = arith.extui %sign3A_3 : i1 to i32
    %sign3A_5 = arith.subi %sign3A_1, %sign3A_4 : i32
    %sign3A_6 = arith.constant 0 : i32
    %sign3A_7 = arith.cmpi sgt, %jit3A, %sign3A_6 : i32
    %sign3A_8 = arith.extui %sign3A_7 : i1 to i32
    %sign3A_9 = arith.constant 0 : i32
    %sign3A_10 = arith.cmpi slt, %jit3A, %sign3A_9 : i32
    %sign3A_11 = arith.extui %sign3A_10 : i1 to i32
    %sign3A_12 = arith.subi %sign3A_8, %sign3A_11 : i32
    %ne3A = arith.cmpi ne, %sign3A_5, %sign3A_12 : i32
    %rem3A = arith.remsi %arg0, %jit3A : i32
    %ne3A_13 = arith.constant 0 : i32
    %ne3A_14 = arith.cmpi ne, %rem3A, %ne3A_13 : i32
    %and3A = arith.andi %ne3A, %ne3A_14 : i1
    %sub3A = arith.constant 1 : i32
    %sub3A_15 = arith.subi %div3A, %sub3A : i32
    %select_n3A = arith.select %and3A, %sub3A_15, %div3A : i32
    %c0_i32 = arith.constant 0 : i32
    %c0_i32_16 = arith.constant 0 : i32
    %c0_i32_17 = arith.constant 0 : i32
    return %select_n3A, %c0_i32, %c0_i32_16 : i32, i32, i32
  }
  func.func @transform_1(%arg0: i32) -> (i32, i32, i32) {
    %jit3A = arith.constant 2 : i32
    %div3A = arith.divsi %arg0, %jit3A : i32
    %sign3A = arith.constant 0 : i32
    %sign3A_0 = arith.cmpi sgt, %arg0, %sign3A : i32
    %sign3A_1 = arith.extui %sign3A_0 : i1 to i32
    %sign3A_2 = arith.constant 0 : i32
    %sign3A_3 = arith.cmpi slt, %arg0, %sign3A_2 : i32
    %sign3A_4 = arith.extui %sign3A_3 : i1 to i32
    %sign3A_5 = arith.subi %sign3A_1, %sign3A_4 : i32
    %sign3A_6 = arith.constant 0 : i32
    %sign3A_7 = arith.cmpi sgt, %jit3A, %sign3A_6 : i32
    %sign3A_8 = arith.extui %sign3A_7 : i1 to i32
    %sign3A_9 = arith.constant 0 : i32
    %sign3A_10 = arith.cmpi slt, %jit3A, %sign3A_9 : i32
    %sign3A_11 = arith.extui %sign3A_10 : i1 to i32
    %sign3A_12 = arith.subi %sign3A_8, %sign3A_11 : i32
    %ne3A = arith.cmpi ne, %sign3A_5, %sign3A_12 : i32
    %rem3A = arith.remsi %arg0, %jit3A : i32
    %ne3A_13 = arith.constant 0 : i32
    %ne3A_14 = arith.cmpi ne, %rem3A, %ne3A_13 : i32
    %and3A = arith.andi %ne3A, %ne3A_14 : i1
    %sub3A = arith.constant 1 : i32
    %sub3A_15 = arith.subi %div3A, %sub3A : i32
    %select_n3A = arith.select %and3A, %sub3A_15, %div3A : i32
    %jit3A_16 = arith.constant 2 : i32
    %eq3A = arith.constant 0 : i32
    %eq3A_17 = arith.cmpi eq, %jit3A_16, %eq3A : i32
    %jit3A_18 = arith.constant 1 : i32
    %select_n3A_19 = arith.select %eq3A_17, %jit3A_18, %jit3A_16 : i32
    %rem3A_20 = arith.remsi %arg0, %select_n3A_19 : i32
    %ne3A_21 = arith.constant 0 : i32
    %ne3A_22 = arith.cmpi ne, %rem3A_20, %ne3A_21 : i32
    %lt3A = arith.constant 0 : i32
    %lt3A_23 = arith.cmpi slt, %rem3A_20, %lt3A : i32
    %lt3A_24 = arith.constant 0 : i32
    %lt3A_25 = arith.cmpi slt, %select_n3A_19, %lt3A_24 : i32
    %ne3A_26 = arith.xori %lt3A_23, %lt3A_25 : i1
    %and3A_27 = arith.andi %ne3A_26, %ne3A_22 : i1
    %add3A = arith.addi %rem3A_20, %select_n3A_19 : i32
    %select_n3A_28 = arith.select %and3A_27, %add3A, %rem3A_20 : i32
    %c0_i32 = arith.constant 0 : i32
    %c0_i32_29 = arith.constant 0 : i32
    return %select_n3A, %select_n3A_28, %c0_i32 : i32, i32, i32
  }
  func.func @transform_2(%arg0: i32) -> (i32, i32, i32) {
    %jit3A = arith.constant 2 : i32
    %div3A = arith.divsi %arg0, %jit3A : i32
    %sign3A = arith.constant 0 : i32
    %sign3A_0 = arith.cmpi sgt, %arg0, %sign3A : i32
    %sign3A_1 = arith.extui %sign3A_0 : i1 to i32
    %sign3A_2 = arith.constant 0 : i32
    %sign3A_3 = arith.cmpi slt, %arg0, %sign3A_2 : i32
    %sign3A_4 = arith.extui %sign3A_3 : i1 to i32
    %sign3A_5 = arith.subi %sign3A_1, %sign3A_4 : i32
    %sign3A_6 = arith.constant 0 : i32
    %sign3A_7 = arith.cmpi sgt, %jit3A, %sign3A_6 : i32
    %sign3A_8 = arith.extui %sign3A_7 : i1 to i32
    %sign3A_9 = arith.constant 0 : i32
    %sign3A_10 = arith.cmpi slt, %jit3A, %sign3A_9 : i32
    %sign3A_11 = arith.extui %sign3A_10 : i1 to i32
    %sign3A_12 = arith.subi %sign3A_8, %sign3A_11 : i32
    %ne3A = arith.cmpi ne, %sign3A_5, %sign3A_12 : i32
    %rem3A = arith.remsi %arg0, %jit3A : i32
    %ne3A_13 = arith.constant 0 : i32
    %ne3A_14 = arith.cmpi ne, %rem3A, %ne3A_13 : i32
    %and3A = arith.andi %ne3A, %ne3A_14 : i1
    %sub3A = arith.constant 1 : i32
    %sub3A_15 = arith.subi %div3A, %sub3A : i32
    %select_n3A = arith.select %and3A, %sub3A_15, %div3A : i32
    %jit3A_16 = arith.constant 2 : i32
    %eq3A = arith.constant 0 : i32
    %eq3A_17 = arith.cmpi eq, %jit3A_16, %eq3A : i32
    %jit3A_18 = arith.constant 1 : i32
    %select_n3A_19 = arith.select %eq3A_17, %jit3A_18, %jit3A_16 : i32
    %rem3A_20 = arith.remsi %arg0, %select_n3A_19 : i32
    %ne3A_21 = arith.constant 0 : i32
    %ne3A_22 = arith.cmpi ne, %rem3A_20, %ne3A_21 : i32
    %lt3A = arith.constant 0 : i32
    %lt3A_23 = arith.cmpi slt, %rem3A_20, %lt3A : i32
    %lt3A_24 = arith.constant 0 : i32
    %lt3A_25 = arith.cmpi slt, %select_n3A_19, %lt3A_24 : i32
    %ne3A_26 = arith.xori %lt3A_23, %lt3A_25 : i1
    %and3A_27 = arith.andi %ne3A_26, %ne3A_22 : i1
    %add3A = arith.addi %rem3A_20, %select_n3A_19 : i32
    %select_n3A_28 = arith.select %and3A_27, %add3A, %rem3A_20 : i32
    %c0_i32 = arith.constant 0 : i32
    %c0_i32_29 = arith.constant 0 : i32
    return %select_n3A, %select_n3A_28, %c0_i32 : i32, i32, i32
  }
}

</mosaic_0001>

<sc_bundles>
// kernel: kernel.4.cloned.1.call-start
scs
__scs_entry_jumppad:
0x0: {  	(pc) =	sbr.rel $0x88, $3  }
0x1: {  	(tag) =	ssettag $0x0;
	lr =	simm.s32 $0x1  }
0x2: {  	[smem:$0x3F9E] =	sst lr;
	_ =	strace $0xD0000000  }
0x3: {  	_ = 	snop  }
0x4: {  	_ = 	snop  }
0x5: {  	_ = 	snop  }
0x6: {  	_ = 	snop  }
0x7: {  	_ = 	snop  }
__scs_overlays_trampoline_lowered:
0x8: {  	[smem:$0x3FAD] =	sst s0  }
0x9: {  	[smem:$0x3FAE] =	sst s1  }
0xa: {  	[smem:$0x3FAF] =	sst s2  }
0xb: {  	[smem:$0x3FB0] =	sst s3  }
0xc: {  	[smem:$0x3FB1] =	sst s4  }
0xd: {  	[smem:$0x3FB2] =	sst s5  }
0xe: {  	[smem:$0x3FB3] =	sst s6  }
0xf: {  	[smem:$0x3FB4] =	sst s7  }
0x10: {  	[smem:$0x3FB5] =	sst s8  }
0x11: {  	[smem:$0x3FB6] =	sst s9;
	s0 =	simm.s32 @!p0 $0x0  }
0x12: {  	s1 =	sld [smem:$0x3F9C];
	s0 =	simm.s32 @p0 $0x1  }
0x13: {  	[smem:$0x3FB7] =	sst s0;
	s0 =	simm.s32 @!p1 $0x0  }
0x14: {  	s2 =	sld [smem:$0x3F9B];
	s0 =	simm.s32 @p1 $0x1  }
0x15: {  	[smem:$0x3FB8] =	sst s0;
	s0 =	simm.s32 @!p2 $0x0  }
0x16: {  	s3 =	sld [smem:$0x3FDB];
	s0 =	simm.s32 @p2 $0x1  }
0x17: {  	s4 =	simm.s32 $0x1BF5;
	[smem:$0x3FBA] =	sst s0  }
0x18: {  	s0 =	sld [smem:$0x3F9D];
	_ =	swait.ge [sflag:s4], $0x0  }
0x19: {  	s7 =	sld [smem:$0x3F9E]  }
0x1a: {  	s8 =	sadd.s32 $0xFFFFE003, lr  }
0x1b: {  	s9 =	sadd.s32 $0xFFFFFEF7, lr;
	s5 =	simm.s32 $0xFFFFFFFF;
	p2 =	slt.u32 s8, $0xFFFFF086  }
0x1c: {  	p1 =	slt.u32 s9, $0xF7A;
	s5 =	simm.s32 @!p2 $0x0  }
0x1d: {  	s5 =	simm.s32 @p1 $0x1;
	p0 =	seq.s32 s7, s2  }
0x1e: {  	s7 =	smul.u32 @!p0 $0xF7A, s2;
	p2 =	seq.s32 @!p0 s5, $0x0  }
0x1f: {  	s9 =	smul.u32 $0xF7A, s1;
	s8 =	simm.s32 @!p0 $0x1BF5;
	p2 =	por !p2, p0  }
0x20: {  	[sflag:s8] =	ssyncset.s32 @!p0 $0xFFFFF086;
	s6 =	sadd.s32 @!p0 s3, s7;
	s7 =	simm.s32 @!p0 $0x108  }
0x21: {  	s3 =	sadd.s32 s3, s9;
	s6 =	sadd.s32 @!p0 $0x88, s6;
	s7 =	simm.s32 @p2 $0x1082  }
0x22: {  	[simem:s7], [sflag:s8] =	dma.local @!p0 [hbm:s6], $0xF7A  }
0x23: {  	s9 =	sor.u32 $0xD0000000, s2;
	s6 =	simm.s32 $0x108;
	_ =	swait.ge @!p0 [sflag:s8], $0x0  }
0x24: {  	s3 =	sadd.s32 $0x88, s3;
	s6 =	simm.s32 @!p1 $0x1082;
	[sflag:s4] =	ssyncset.s32 $0xFFFFF086  }
0x25: {  	[simem:s6], [sflag:s4] =	dma.local [hbm:s3], $0xF7A  }
0x26: {  	[smem:$0x3F9E] =	sst s1;
	(tag) =	ssettag s2;
	_ =	strace s9  }
0x27: {  	s1 =	sld [smem:$0x3FAE]  }
0x28: {  	s2 =	sld [smem:$0x3FAF]  }
0x29: {  	s4 =	sld [smem:$0x3FB1]  }
0x2a: {  	p0 =	seq.s32 s5, $0x0;
	s5 =	sld [smem:$0x3FB2]  }
0x2b: {  	s6 =	sld [smem:$0x3FB3]  }
0x2c: {  	s7 =	sld [smem:$0x3FB4]  }
0x2d: {  	s3 =	simm.s32 $0x108;
	s8 =	sld [smem:$0x3FB5]  }
0x2e: {  	s3 =	simm.s32 @!p0 $0x1082;
	s9 =	sld [smem:$0x3FB6]  }
0x2f: {  	lr =	sadd.s32 s0, s3;
	s0 =	sld [smem:$0x3FAD]  }
0x30: {  	s3 =	sld [smem:$0x3FB0]  }
0x31: {  	[smem:$0x3FB9] =	sst s10  }
0x32: {  	s10 =	sld [smem:$0x3FB7];
	_ =	sdelay $0x3  }
0x33: {  	p0 =	seq.s32 s10, $0x1;
	s10 =	sld [smem:$0x3FB9];
	_ =	sdelay $0x3  }
0x34: {  	[smem:$0x3FB9] =	sst s10  }
0x35: {  	s10 =	sld [smem:$0x3FB8];
	_ =	sdelay $0x3  }
0x36: {  	p1 =	seq.s32 s10, $0x1;
	s10 =	sld [smem:$0x3FB9];
	_ =	sdelay $0x3  }
0x37: {  	[smem:$0x3FB9] =	sst s10  }
0x38: {  	s10 =	sld [smem:$0x3FBA]  }
0x39: {  	_ = 	snop;
	(pc) =	sbr.ind lr, $3  }
0x3a: {  	_ = 	snop  }
0x3b: {  	_ = 	snop  }
0x3c: {  	p2 =	seq.s32 s10, $0x1;
	s10 =	sld [smem:$0x3FB9]  }
0x3d: {  	_ =	shalt  }
0x3e: {  	_ =	shalt  }
0x3f: {  	_ =	shalt  }
0x40: {  	_ =	shalt  }
0x41: {  	_ =	shalt  }
0x42: {  	_ =	shalt  }
0x43: {  	_ =	shalt  }
0x44: {  	_ =	shalt  }
0x45: {  	_ =	shalt  }
0x46: {  	_ =	shalt  }
0x47: {  	_ =	shalt  }
0x48: {  	_ =	shalt  }
0x49: {  	_ =	shalt  }
0x4a: {  	_ =	shalt  }
0x4b: {  	_ =	shalt  }
0x4c: {  	_ =	shalt  }
0x4d: {  	_ =	shalt  }
0x4e: {  	_ =	shalt  }
0x4f: {  	_ =	shalt  }
0x50: {  	_ =	shalt  }
0x51: {  	_ =	shalt  }
0x52: {  	_ =	shalt  }
0x53: {  	_ =	shalt  }
0x54: {  	_ =	shalt  }
0x55: {  	_ =	shalt  }
0x56: {  	_ =	shalt  }
0x57: {  	_ =	shalt  }
0x58: {  	_ =	shalt  }
0x59: {  	_ =	shalt  }
0x5a: {  	_ =	shalt  }
0x5b: {  	_ =	shalt  }
0x5c: {  	_ =	shalt  }
0x5d: {  	_ =	shalt  }
0x5e: {  	_ =	shalt  }
0x5f: {  	_ =	shalt  }
0x60: {  	_ =	shalt  }
0x61: {  	_ =	shalt  }
0x62: {  	_ =	shalt  }
0x63: {  	_ =	shalt  }
0x64: {  	_ =	shalt  }
0x65: {  	_ =	shalt  }
0x66: {  	_ =	shalt  }
0x67: {  	_ =	shalt  }
0x68: {  	_ =	shalt  }
0x69: {  	_ =	shalt  }
0x6a: {  	_ =	shalt  }
0x6b: {  	_ =	shalt  }
0x6c: {  	_ =	shalt  }
0x6d: {  	_ =	shalt  }
0x6e: {  	_ =	shalt  }
0x6f: {  	_ =	shalt  }
0x70: {  	_ =	shalt  }
0x71: {  	_ =	shalt  }
0x72: {  	_ =	shalt  }
0x73: {  	_ =	shalt  }
0x74: {  	_ =	shalt  }
0x75: {  	_ =	shalt  }
0x76: {  	_ =	shalt  }
0x77: {  	_ =	shalt  }
0x78: {  	_ =	shalt  }
0x79: {  	_ =	shalt  }
0x7a: {  	_ =	shalt  }
0x7b: {  	_ =	shalt  }
0x7c: {  	_ =	shalt  }
0x7d: {  	_ =	shalt  }
0x7e: {  	_ =	shalt  }
0x7f: {  	_ =	shalt  }
0x80: {  	_ =	shalt  }
0x81: {  	_ =	shalt  }
0x82: {  	_ =	shalt  }
0x83: {  	_ =	shalt  }
0x84: {  	_ =	shalt  }
0x85: {  	_ =	shalt  }
0x86: {  	_ =	shalt  }
0x87: {  	_ =	shalt  }
.Lfunc_end0:
.L_simem_size_0:
called_computation_lowered:
.L_overlay_start_0:
0x88: {  	s0 =	sld [smem:$0x3FD9]  }
0x89: {  	s1 =	sld [smem:$0x3FFE];
	_ =	sdelay $0x3  }
0x8a: {  	s0 =	sadd.s32 s1, s0  }
0x8b: {  	s3 =	simm.s32 $0x0;
	[smem:$0x3FC5] =	sst s0  }
0x8c: {  	[smem:$0xF] =	sst s3  }
0x8d: {  	s2 =	sld [smem:$0x3FC8]  }
0x8e: {  	s0 =	sld [smem:$0x3FC7]  }
0x8f: {  	s14 =	sld [smem:$0x3FD0];
	(tm) =	ssettm $0x1  }
0x90: {  	s15 =	sld [smem:$0x3FFB];
	_ =	sdelay $0x3  }
0x91: {  	_ =	strace s15  }
0x92: {  	s3 =	sld [smem:$0x3FFC];
	_ =	sdelay $0x3  }
0x93: {  	_ =	strace s3  }
0x94: {  	s3 =	sld [smem:$0x3FFD];
	_ =	sdelay $0x3  }
0x95: {  	_ =	strace s3  }
0x96: {  	s16 =	simm.s32 $0x1B8B;
	_ =	strace $0x8FFFFFFF  }
0x97: {  	_ =	swait.ge [sflag:s16], $0x1  }
0x98: {  	[sflag:s16] =	ssyncset.done $0x0  }
0x99: {  	s17 =	simm.s32 $0x1B8E;
	[sflag:s16] =	ssyncadd.s32 $0xFFFFFFFF  }
0x9a: {  	[smem:$0x3FD2] =	sst s17  }
0x9b: {  	s18 =	simm.s32 $0xA;
	s4 =	simm.s32 $0x10;
	_ =	strace $0x80000046  }
0x9c: {  	[smem:s4], [sflag:s18] =	dma.local [hbm:s2], $0x10  }
0x9d: {  	_ =	swait.ge [sflag:s18], $0x10  }
0x9e: {  	[sflag:s18] =	ssyncset.done $0x0  }
0x9f: {  	[sflag:s18] =	ssyncadd.s32 $0xFFFFFFF0  }
0xa0: {  	s19 =	sld [smem:$0x10];
	_ =	sdelay $0x3  }
0xa1: {  	s20 =	sshll.u32 s19, $0xB;
	s2 =	sshll.u32 s19, $0x7  }
0xa2: {  	s3 =	sand.u32 $0xFFFFC000, s20;
	s2 =	sand.u32 $0x380, s2  }
0xa3: {  	s2 =	sor.u32 s2, s3  }
0xa4: {  	s21 =	simm.s32 $0x1;
	s22 =	simm.s32 $0x40;
	s2 =	sshrl.u32 s2, $0x3  }
0xa5: {  	s5 =	simm.s32 $0x80;
	s6 =	simm.s32 $0x9;
	s2 =	sadd.s32 s0, s2  }
0xa6: {  	[hbm:s14@s22], [sflag:s6] =	dma.strided [hbm:s2@s5], $0x100, s21, $0x10   }
0xa7: {  	s2 =	sld [smem:$0x11];
	_ =	sdelay $0x3  }
0xa8: {  	s7 =	sshll.u32 s2, $0xB;
	s2 =	sshll.u32 s2, $0x7  }
0xa9: {  	s7 =	sand.u32 $0xFFFFC000, s7;
	s2 =	sand.u32 $0x380, s2  }
0xaa: {  	s2 =	sor.u32 s2, s7  }
0xab: {  	s2 =	sshrl.u32 s2, $0x3  }
0xac: {  	s23 =	sadd.s32 $0x10, s14;
	s2 =	sadd.s32 s0, s2  }
0xad: {  	[hbm:s23@s22], [sflag:s6] =	dma.strided [hbm:s2@s5], $0x100, s21, $0x10   }
0xae: {  	s2 =	sld [smem:$0x12];
	_ =	sdelay $0x3  }
0xaf: {  	s24 =	sshll.u32 s2, $0xB;
	s2 =	sshll.u32 s2, $0x7  }
0xb0: {  	s7 =	sand.u32 $0xFFFFC000, s24;
	s2 =	sand.u32 $0x380, s2  }
0xb1: {  	s2 =	sor.u32 s2, s7  }
0xb2: {  	s2 =	sshrl.u32 s2, $0x3  }
0xb3: {  	s25 =	sadd.s32 $0x20, s14;
	s2 =	sadd.s32 s0, s2  }
0xb4: {  	[hbm:s25@s22], [sflag:s6] =	dma.strided [hbm:s2@s5], $0x100, s21, $0x10   }
0xb5: {  	s2 =	sld [smem:$0x13];
	_ =	sdelay $0x3  }
0xb6: {  	s26 =	sshll.u32 s2, $0xB;
	s2 =	sshll.u32 s2, $0x7  }
0xb7: {  	s7 =	sand.u32 $0xFFFFC000, s26;
	s2 =	sand.u32 $0x380, s2  }
0xb8: {  	s2 =	sor.u32 s2, s7  }
0xb9: {  	s2 =	sshrl.u32 s2, $0x3  }
0xba: {  	s1 =	sadd.s32 $0x30, s14;
	s0 =	sadd.s32 s0, s2  }
0xbb: {  	[hbm:s1@s22], [sflag:s6] =	dma.strided [hbm:s0@s5], $0x100, s21, $0x10   }
0xbc: {  	_ =	swait.ge [sflag:s6], $0x400  }
0xbd: {  	[sflag:s6] =	ssyncset.done $0x0  }
0xbe: {  	[sflag:s6] =	ssyncadd.s32 $0xFFFFFC00  }
0xbf: {  	_ =	strace $0x90000046  }
0xc0: {  	_ =	sfence  }
0xc1: {  	s28 =	sld [smem:$0x0];
	_ =	sdelay $0x1  }
0xc2: {  	s29 =	srdreg.scid  }
0xc3: {  	s30 =	sshll.u32 s29, $0xD;
	s31 =	sshrl.u32 s29, $0x2  }
0xc4: {  	s2 =	sand.u32 $0x4000, s30;
	s1 =	sand.u32 $0x1, s29;
	s0 =	sadd.s32 s31, s28  }
0xc5: {  	s1 =	sor.u32 s2, s1;
	s0 =	sshll.u32 s0, $0x11  }
0xc6: {  	s0 =	sor.u32 s0, s1  }
0xc7: {  	s0 =	sadd.s32 $0x8F2B, s0;
	(pc) =	sbr.abs _section_cstart, $3  }
0xc8: {  	[sflag:s0] =	ssyncadd.remote.s32 $0x1  }
0xc9: {  	_ =	strace $0x9FFFFFFF  }
0xca: {  	(tm) =	ssettm $0x7FFFFFFF  }
0xcb: {  	_ =	shalt  }

</sc_bundles>
